<compile_context>
chip_gen: v7x
topology: tpu7x:2x2x1
jax: 0.10.2.dev20260603
libtpu: 0.0.44.dev20260713+nightly
codegen_flags: <defaults>
</compile_context>

<pallas_src>
import functools

import jax
import jax.numpy as jnp
from jax import lax
from jax.experimental import pallas as pl
from jax.experimental.pallas import tpu as pltpu
from jax.experimental.pallas import tpu_sc as plsc

N_NODES = 10000
DIM = 128

NC = 2
NS = 16
NW = NC * NS

CHUNK = 128
ZC = 32
N_PAD = 10240
ROW_BLK = 400


def _matmul_y2(x, w2):
    def body(x_ref, w_ref, o_ref):
        o_ref[...] = jnp.dot(x_ref[...], w_ref[...],
                             preferred_element_type=jnp.float32)

    grid = N_NODES // ROW_BLK
    return pl.pallas_call(
        body,
        grid=(grid,),
        in_specs=[
            pl.BlockSpec((ROW_BLK, DIM), lambda i: (i, 0)),
            pl.BlockSpec((DIM, DIM), lambda i: (0, 0)),
        ],
        out_specs=pl.BlockSpec((ROW_BLK, DIM), lambda i: (i, 0)),
        out_shape=jax.ShapeDtypeStruct((N_NODES, DIM), jnp.float32),
    )(x, w2)


K = 2


def _make_sc_scatter(n_chunks):
    rows_per_tile = N_PAD // NS
    n_idx = n_chunks * CHUNK
    mesh = plsc.VectorSubcoreMesh(core_axis_name="c", subcore_axis_name="s")

    @functools.partial(
        pl.kernel,
        mesh=mesh,
        out_type=jax.ShapeDtypeStruct((NC, N_PAD, DIM), jnp.float32),
        scratch_types=[
            pltpu.VMEM((ZC, DIM), jnp.float32),
            pltpu.VMEM((n_idx,), jnp.int32),
            pltpu.VMEM((n_idx,), jnp.int32),
            pltpu.VMEM((CHUNK,), jnp.int32),
            pltpu.VMEM((CHUNK,), jnp.int32),
            pltpu.VMEM((CHUNK, DIM), jnp.float32),
            pltpu.VMEM_SHARED((N_PAD, DIM), jnp.float32),
            pltpu.SemaphoreType.DMA,
            pltpu.SemaphoreType.DMA,
        ],
    )
    def sc_kernel(src_hbm, dst_hbm, y2_hbm, out_hbm,
                  zbuf, sall, dall, sbuf, dbuf, rows, acc, isem, gsem):
        cid = lax.axis_index("c")
        sid = lax.axis_index("s")
        wid = sid * NC + cid
        e0 = wid * n_idx

        all_src = pltpu.make_async_copy(
            src_hbm.at[pl.ds(e0, n_idx)], sall, isem)
        all_src.start()
        all_dst = pltpu.make_async_copy(
            dst_hbm.at[pl.ds(n_chunks * NW * CHUNK + e0, n_idx)], dall,
            gsem)
        all_dst.start()

        def zrow(i, carry):
            for j in range(DIM // 16):
                zbuf[i, pl.ds(j * 16, 16)] = jnp.zeros((16,), jnp.float32)
            return carry
        lax.fori_loop(0, ZC, zrow, 0)

        def zcopy(i, carry):
            pltpu.sync_copy(
                zbuf, acc.at[pl.ds(sid * rows_per_tile + i * ZC, ZC)])
            return carry
        lax.fori_loop(0, rows_per_tile // ZC, zcopy, 0)
        all_src.wait()
        all_dst.wait()
        plsc.subcore_barrier()

        def chunk_body(g, carry):
            o = g * CHUNK
            for j in range(CHUNK // 16):
                sbuf[pl.ds(j * 16, 16)] = sall[pl.ds(o + j * 16, 16)]
            pltpu.async_copy(y2_hbm.at[sbuf], rows, gsem).wait()
            return carry
        lax.fori_loop(0, n_chunks, chunk_body, 0)
        plsc.subcore_barrier()

        lo = sid * rows_per_tile
        pltpu.sync_copy(acc.at[pl.ds(lo, rows_per_tile)],
                        out_hbm.at[cid, pl.ds(lo, rows_per_tile)])

    return sc_kernel


def _final(x, w1, partials):
    def body(x_ref, w_ref, p_ref, o_ref):
        acc = jnp.dot(x_ref[...], w_ref[...],
                      preferred_element_type=jnp.float32)
        acc = acc + p_ref[0] + p_ref[1]
        o_ref[...] = jnp.maximum(acc, 0.0)

    grid = N_NODES // ROW_BLK
    return pl.pallas_call(
        body,
        grid=(grid,),
        in_specs=[
            pl.BlockSpec((ROW_BLK, DIM), lambda i: (i, 0)),
            pl.BlockSpec((DIM, DIM), lambda i: (0, 0)),
            pl.BlockSpec((NC, ROW_BLK, DIM), lambda i: (0, i, 0)),
        ],
        out_specs=pl.BlockSpec((ROW_BLK, DIM), lambda i: (i, 0)),
        out_shape=jax.ShapeDtypeStruct((N_NODES, DIM), jnp.float32),
    )(x, w1, partials)


def kernel(x, edge_index, W1, W2):
    src = edge_index[0].astype(jnp.int32)
    dst = edge_index[1].astype(jnp.int32)
    n_edges = src.shape[0]
    per = NW * CHUNK
    n_chunks = -(-n_edges // per)
    n_chunks = -(-n_chunks // K) * K
    e_pad = n_chunks * per
    pad = e_pad - n_edges
    if pad:
        pad_dst = N_NODES + jnp.arange(pad, dtype=jnp.int32) % (N_PAD - N_NODES)
        src = jnp.concatenate([src, jnp.zeros((pad,), jnp.int32)])
        dst = jnp.concatenate([dst, pad_dst])
    sd = jnp.concatenate([src, dst])

    y2 = _matmul_y2(x, W2)
    partials = _make_sc_scatter(n_chunks)(sd, sd, y2)
    return _final(x, W1, partials)

# --- scband reference (transcript-rebuilt; emitter-appended) ---
"""Pipeline reference for scband-kset-layer-37177236914918 (READ-ONLY COPY).

The authoritative reference and input builder live on the scoring server;
editing this copy changes nothing except your own understanding.
"""

import jax, jax.numpy as jnp
import numpy as np

N_NODES = 10000
N_EDGES = 320000
IN_DIM = 128
OUT_DIM = 128


def setup_inputs(seed: int = 0) -> dict:
    key = jax.random.key(seed)
    k1, k2, k3, k4, k5 = jax.random.split(key, 5)
    x = jax.random.normal(k1, (N_NODES, IN_DIM), dtype=jnp.float32)
    edge_index = jax.random.randint(k2, (2, N_EDGES), 0, N_NODES, dtype=jnp.int64)
    # nn.Linear(in_dim, out_dim, bias=False) weights: stored as [out, in] in torch;
    # we keep them as [in, out] here and right-multiply, which is mathematically identical.
    scale1 = 1.0 / np.sqrt(IN_DIM)
    W1 = jax.random.uniform(k3, (IN_DIM, OUT_DIM), dtype=jnp.float32, minval=-scale1, maxval=scale1)
    W2 = jax.random.uniform(k4, (IN_DIM, OUT_DIM), dtype=jnp.float32, minval=-scale1, maxval=scale1)
    return {"x": x, "edge_index": edge_index, "W1": W1, "W2": W2}


def reference(x, edge_index, W1, W2):
    # self part: f(s) @ W1
    self_part = x @ W1
    # neighbor part: gather source features, transform, scatter-add into dst
    src = edge_index[0]
    dst = edge_index[1]
    source_feats = jnp.take(x, src, axis=0) @ W2
    neighbor_part = jnp.zeros_like(self_part).at[dst].add(source_feats)
    return jax.nn.relu(self_part + neighbor_part)

if __name__ == "__main__":
    import jax
    _d = setup_inputs()
    print(jax.jit(kernel)(*tuple(_d.values())))

</pallas_src>

<mosaic_0001>
#map = affine_map<(d0, d1) -> (0)>
#map1 = affine_map<(d0, d1) -> (0, 0)>
#map2 = affine_map<(d0, d1) -> (0, 0, 0)>
module attributes {stable_mosaic.version = 14 : i64} {
  func.func @sc_kernel(%arg0: i32, %arg1: i32, %arg2: memref<655360xi32, #tpu.memory_space<hbm>>, %arg3: memref<655360xi32, #tpu.memory_space<hbm>>, %arg4: memref<10000x128xf32, #tpu.memory_space<hbm>>, %arg5: memref<2x10240x128xf32, #tpu.memory_space<hbm>>, %arg6: memref<32x128xf32, #tpu.memory_space<vmem>>, %arg7: memref<10240xi32, #tpu.memory_space<vmem>>, %arg8: memref<10240xi32, #tpu.memory_space<vmem>>, %arg9: memref<128xi32, #tpu.memory_space<vmem>>, %arg10: memref<128xi32, #tpu.memory_space<vmem>>, %arg11: memref<128x128xf32, #tpu.memory_space<vmem>>, %arg12: memref<10240x128xf32, #tpu.memory_space<vmem_shared>>, %arg13: memref<!tpu.dma_semaphore, #tpu.memory_space<semaphore_mem>>, %arg14: memref<!tpu.dma_semaphore, #tpu.memory_space<semaphore_mem>>) attributes {dimension_semantics = [#tpu.dimension_semantics<core_parallel>, #tpu.dimension_semantics<subcore_parallel>], iteration_bounds = array<i64: 2, 16>, scalar_prefetch = 0 : i64, scratch_operands = 9 : i64, tpu.core_type = #tpu.core_type<sc_vector_subcore>, window_params = [{transform_indices = #map}, {transform_indices = #map}, {transform_indices = #map1}, {transform_indices = #map2}]} {
    %mul3A = arith.constant 2 : i32
    %mul3A_0 = arith.muli %arg1, %mul3A : i32
    %add3A = arith.addi %mul3A_0, %arg0 : i32
    %mul3A_1 = arith.constant 10240 : i32
    %mul3A_2 = arith.muli %add3A, %mul3A_1 : i32
    %dma_start3A = tpu.memref_slice %arg2[%mul3A_2] : memref<655360xi32, #tpu.memory_space<hbm>> -> memref<10240xi32, #tpu.memory_space<hbm>>
    %dma_start3A_3 = tpu.memref_slice %arg2[%mul3A_2] : memref<655360xi32, #tpu.memory_space<hbm>> -> memref<10240xi32, #tpu.memory_space<hbm>>
    tpu.enqueue_dma source(%dma_start3A_3 : memref<10240xi32, #tpu.memory_space<hbm>>) target(%arg7 : memref<10240xi32, #tpu.memory_space<vmem>>) target_semaphore(%arg13 : memref<!tpu.dma_semaphore, #tpu.memory_space<semaphore_mem>>)
    %add3A_4 = arith.constant 327680 : i32
    %add3A_5 = arith.addi %add3A_4, %mul3A_2 : i32
    %dma_start3A_6 = tpu.memref_slice %arg3[%add3A_5] : memref<655360xi32, #tpu.memory_space<hbm>> -> memref<10240xi32, #tpu.memory_space<hbm>>
    %dma_start3A_7 = tpu.memref_slice %arg3[%add3A_5] : memref<655360xi32, #tpu.memory_space<hbm>> -> memref<10240xi32, #tpu.memory_space<hbm>>
    tpu.enqueue_dma source(%dma_start3A_7 : memref<10240xi32, #tpu.memory_space<hbm>>) target(%arg8 : memref<10240xi32, #tpu.memory_space<vmem>>) target_semaphore(%arg14 : memref<!tpu.dma_semaphore, #tpu.memory_space<semaphore_mem>>)
    %scan3A = arith.constant 0 : i32
    %scan3A_8 = arith.constant 0 : i32
    %scan3A_9 = arith.constant 32 : i32
    %scan3A_10 = arith.addi %scan3A_8, %scan3A_9 : i32
    %scan3A_11 = arith.constant 1 : i32
    scf.for %scan3A_31 = %scan3A_8 to %scan3A_10 step %scan3A_11  : i32 {
      %broadcast_in_dim3A = arith.constant 0.000000e+00 : f32
      %broadcast_in_dim3A_32 = vector.broadcast %broadcast_in_dim3A : f32 to vector<16xf32>
      %swap3A = arith.index_cast %scan3A_31 : i32 to index
      %swap3A_33 = arith.constant 0 : index
      %swap3A_34 = tpu.vector_load %arg6[%swap3A, %swap3A_33] {strides = array<i32>} : memref<32x128xf32, #tpu.memory_space<vmem>>, vector<1x16xf32>,
      %swap3A_35 = vector.shape_cast %swap3A_34 : vector<1x16xf32> to vector<16xf32>
      %swap3A_36 = vector.shape_cast %broadcast_in_dim3A_32 : vector<16xf32> to vector<1x16xf32>
      tpu.vector_store %arg6[%swap3A, %swap3A_33], %swap3A_36 {strides = array<i32>} : memref<32x128xf32, #tpu.memory_space<vmem>>, vector<1x16xf32>,
      %broadcast_in_dim3A_37 = arith.constant 0.000000e+00 : f32
      %broadcast_in_dim3A_38 = vector.broadcast %broadcast_in_dim3A_37 : f32 to vector<16xf32>
      %swap3A_39 = arith.index_cast %scan3A_31 : i32 to index
      %swap3A_40 = arith.constant 16 : index
      %swap3A_41 = tpu.vector_load %arg6[%swap3A_39, %swap3A_40] {strides = array<i32>} : memref<32x128xf32, #tpu.memory_space<vmem>>, vector<1x16xf32>,
      %swap3A_42 = vector.shape_cast %swap3A_41 : vector<1x16xf32> to vector<16xf32>
      %swap3A_43 = vector.shape_cast %broadcast_in_dim3A_38 : vector<16xf32> to vector<1x16xf32>
      tpu.vector_store %arg6[%swap3A_39, %swap3A_40], %swap3A_43 {strides = array<i32>} : memref<32x128xf32, #tpu.memory_space<vmem>>, vector<1x16xf32>,
      %broadcast_in_dim3A_44 = arith.constant 0.000000e+00 : f32
      %broadcast_in_dim3A_45 = vector.broadcast %broadcast_in_dim3A_44 : f32 to vector<16xf32>
      %swap3A_46 = arith.index_cast %scan3A_31 : i32 to index
      %swap3A_47 = arith.constant 32 : index
      %swap3A_48 = tpu.vector_load %arg6[%swap3A_46, %swap3A_47] {strides = array<i32>} : memref<32x128xf32, #tpu.memory_space<vmem>>, vector<1x16xf32>,
      %swap3A_49 = vector.shape_cast %swap3A_48 : vector<1x16xf32> to vector<16xf32>
      %swap3A_50 = vector.shape_cast %broadcast_in_dim3A_45 : vector<16xf32> to vector<1x16xf32>
      tpu.vector_store %arg6[%swap3A_46, %swap3A_47], %swap3A_50 {strides = array<i32>} : memref<32x128xf32, #tpu.memory_space<vmem>>, vector<1x16xf32>,
      %broadcast_in_dim3A_51 = arith.constant 0.000000e+00 : f32
      %broadcast_in_dim3A_52 = vector.broadcast %broadcast_in_dim3A_51 : f32 to vector<16xf32>
      %swap3A_53 = arith.index_cast %scan3A_31 : i32 to index
      %swap3A_54 = arith.constant 48 : index
      %swap3A_55 = tpu.vector_load %arg6[%swap3A_53, %swap3A_54] {strides = array<i32>} : memref<32x128xf32, #tpu.memory_space<vmem>>, vector<1x16xf32>,
      %swap3A_56 = vector.shape_cast %swap3A_55 : vector<1x16xf32> to vector<16xf32>
      %swap3A_57 = vector.shape_cast %broadcast_in_dim3A_52 : vector<16xf32> to vector<1x16xf32>
      tpu.vector_store %arg6[%swap3A_53, %swap3A_54], %swap3A_57 {strides = array<i32>} : memref<32x128xf32, #tpu.memory_space<vmem>>, vector<1x16xf32>,
      %broadcast_in_dim3A_58 = arith.constant 0.000000e+00 : f32
      %broadcast_in_dim3A_59 = vector.broadcast %broadcast_in_dim3A_58 : f32 to vector<16xf32>
      %swap3A_60 = arith.index_cast %scan3A_31 : i32 to index
      %swap3A_61 = arith.constant 64 : index
      %swap3A_62 = tpu.vector_load %arg6[%swap3A_60, %swap3A_61] {strides = array<i32>} : memref<32x128xf32, #tpu.memory_space<vmem>>, vector<1x16xf32>,
      %swap3A_63 = vector.shape_cast %swap3A_62 : vector<1x16xf32> to vector<16xf32>
      %swap3A_64 = vector.shape_cast %broadcast_in_dim3A_59 : vector<16xf32> to vector<1x16xf32>
      tpu.vector_store %arg6[%swap3A_60, %swap3A_61], %swap3A_64 {strides = array<i32>} : memref<32x128xf32, #tpu.memory_space<vmem>>, vector<1x16xf32>,
      %broadcast_in_dim3A_65 = arith.constant 0.000000e+00 : f32
      %broadcast_in_dim3A_66 = vector.broadcast %broadcast_in_dim3A_65 : f32 to vector<16xf32>
      %swap3A_67 = arith.index_cast %scan3A_31 : i32 to index
      %swap3A_68 = arith.constant 80 : index
      %swap3A_69 = tpu.vector_load %arg6[%swap3A_67, %swap3A_68] {strides = array<i32>} : memref<32x128xf32, #tpu.memory_space<vmem>>, vector<1x16xf32>,
      %swap3A_70 = vector.shape_cast %swap3A_69 : vector<1x16xf32> to vector<16xf32>
      %swap3A_71 = vector.shape_cast %broadcast_in_dim3A_66 : vector<16xf32> to vector<1x16xf32>
      tpu.vector_store %arg6[%swap3A_67, %swap3A_68], %swap3A_71 {strides = array<i32>} : memref<32x128xf32, #tpu.memory_space<vmem>>, vector<1x16xf32>,
      %broadcast_in_dim3A_72 = arith.constant 0.000000e+00 : f32
      %broadcast_in_dim3A_73 = vector.broadcast %broadcast_in_dim3A_72 : f32 to vector<16xf32>
      %swap3A_74 = arith.index_cast %scan3A_31 : i32 to index
      %swap3A_75 = arith.constant 96 : index
      %swap3A_76 = tpu.vector_load %arg6[%swap3A_74, %swap3A_75] {strides = array<i32>} : memref<32x128xf32, #tpu.memory_space<vmem>>, vector<1x16xf32>,
      %swap3A_77 = vector.shape_cast %swap3A_76 : vector<1x16xf32> to vector<16xf32>
      %swap3A_78 = vector.shape_cast %broadcast_in_dim3A_73 : vector<16xf32> to vector<1x16xf32>
      tpu.vector_store %arg6[%swap3A_74, %swap3A_75], %swap3A_78 {strides = array<i32>} : memref<32x128xf32, #tpu.memory_space<vmem>>, vector<1x16xf32>,
      %broadcast_in_dim3A_79 = arith.constant 0.000000e+00 : f32
      %broadcast_in_dim3A_80 = vector.broadcast %broadcast_in_dim3A_79 : f32 to vector<16xf32>
      %swap3A_81 = arith.index_cast %scan3A_31 : i32 to index
      %swap3A_82 = arith.constant 112 : index
      %swap3A_83 = tpu.vector_load %arg6[%swap3A_81, %swap3A_82] {strides = array<i32>} : memref<32x128xf32, #tpu.memory_space<vmem>>, vector<1x16xf32>,
      %swap3A_84 = vector.shape_cast %swap3A_83 : vector<1x16xf32> to vector<16xf32>
      %swap3A_85 = vector.shape_cast %broadcast_in_dim3A_80 : vector<16xf32> to vector<1x16xf32>
      tpu.vector_store %arg6[%swap3A_81, %swap3A_82], %swap3A_85 {strides = array<i32>} : memref<32x128xf32, #tpu.memory_space<vmem>>, vector<1x16xf32>,
    }
    %scan3A_12 = arith.constant 32 : i32
    %scan3A_13 = arith.constant 0 : i32
    %scan3A_14 = arith.constant 0 : i32
    %scan3A_15 = arith.constant 20 : i32
    %scan3A_16 = arith.addi %scan3A_14, %scan3A_15 : i32
    %scan3A_17 = arith.constant 1 : i32
    scf.for %scan3A_31 = %scan3A_14 to %scan3A_16 step %scan3A_17  : i32 {
      %mul3A_32 = arith.constant 640 : i32
      %mul3A_33 = arith.muli %arg1, %mul3A_32 : i32
      %mul3A_34 = arith.constant 32 : i32
      %mul3A_35 = arith.muli %scan3A_31, %mul3A_34 : i32
      %add3A_36 = arith.addi %mul3A_33, %mul3A_35 : i32
      "tpu.region"() ({
        %run_scoped3A = tpu.sem_alloc : memref<!tpu.dma_semaphore, #tpu.memory_space<semaphore_mem>>
        %dma_start3A_37 = arith.constant 0 : i32
        %dma_start3A_38 = tpu.memref_slice %arg12[%add3A_36, %dma_start3A_37] : memref<10240x128xf32, #tpu.memory_space<vmem_shared>> -> memref<32x128xf32, #tpu.memory_space<vmem_shared>>
        %dma_start3A_39 = arith.constant 0 : i32
        %dma_start3A_40 = tpu.memref_slice %arg12[%add3A_36, %dma_start3A_39] : memref<10240x128xf32, #tpu.memory_space<vmem_shared>> -> memref<32x128xf32, #tpu.memory_space<vmem_shared>>
        tpu.enqueue_dma source(%arg6 : memref<32x128xf32, #tpu.memory_space<vmem>>) target(%dma_start3A_40 : memref<32x128xf32, #tpu.memory_space<vmem_shared>>) target_semaphore(%run_scoped3A : memref<!tpu.dma_semaphore, #tpu.memory_space<semaphore_mem>>)
        %dma_wait3A_41 = arith.constant 0 : i32
        %dma_wait3A_42 = tpu.memref_slice %arg12[%add3A_36, %dma_wait3A_41] : memref<10240x128xf32, #tpu.memory_space<vmem_shared>> -> memref<32x128xf32, #tpu.memory_space<vmem_shared>>
        %dma_wait3A_43 = arith.constant 0 : i32
        %dma_wait3A_44 = tpu.memref_slice %arg12[%add3A_36, %dma_wait3A_43] : memref<10240x128xf32, #tpu.memory_space<vmem_shared>> -> memref<32x128xf32, #tpu.memory_space<vmem_shared>>
        tpu.wait_dma2 semaphore(%run_scoped3A : memref<!tpu.dma_semaphore, #tpu.memory_space<semaphore_mem>>) src(%arg6 : memref<32x128xf32, #tpu.memory_space<vmem>>) dst(%dma_wait3A_44 : memref<32x128xf32, #tpu.memory_space<vmem_shared>>)
        tpu.yield
      }) : () -> ()
    }
    %scan3A_18 = arith.constant 20 : i32
    %dma_wait3A = tpu.memref_slice %arg2[%mul3A_2] : memref<655360xi32, #tpu.memory_space<hbm>> -> memref<10240xi32, #tpu.memory_space<hbm>>
    %dma_wait3A_19 = tpu.memref_slice %arg2[%mul3A_2] : memref<655360xi32, #tpu.memory_space<hbm>> -> memref<10240xi32, #tpu.memory_space<hbm>>
    tpu.wait_dma2 semaphore(%arg13 : memref<!tpu.dma_semaphore, #tpu.memory_space<semaphore_mem>>) src(%dma_wait3A_19 : memref<10240xi32, #tpu.memory_space<hbm>>) dst(%arg7 : memref<10240xi32, #tpu.memory_space<vmem>>)
    %dma_wait3A_20 = tpu.memref_slice %arg3[%add3A_5] : memref<655360xi32, #tpu.memory_space<hbm>> -> memref<10240xi32, #tpu.memory_space<hbm>>
    %dma_wait3A_21 = tpu.memref_slice %arg3[%add3A_5] : memref<655360xi32, #tpu.memory_space<hbm>> -> memref<10240xi32, #tpu.memory_space<hbm>>
    tpu.wait_dma2 semaphore(%arg14 : memref<!tpu.dma_semaphore, #tpu.memory_space<semaphore_mem>>) src(%dma_wait3A_21 : memref<10240xi32, #tpu.memory_space<hbm>>) dst(%arg8 : memref<10240xi32, #tpu.memory_space<vmem>>)
    %barrier3A = arith.constant 0 : index
    tpu.barrier barrier_id(%barrier3A)
    %scan3A_22 = arith.constant 0 : i32
    %scan3A_23 = arith.constant 0 : i32
    %scan3A_24 = arith.constant 80 : i32
    %scan3A_25 = arith.addi %scan3A_23, %scan3A_24 : i32
    %scan3A_26 = arith.constant 1 : i32
    scf.for %scan3A_31 = %scan3A_23 to %scan3A_25 step %scan3A_26  : i32 {
      %mul3A_32 = arith.constant 128 : i32
      %mul3A_33 = arith.muli %scan3A_31, %mul3A_32 : i32
      %add3A_34 = arith.constant 0 : i32
      %add3A_35 = arith.addi %mul3A_33, %add3A_34 : i32
      %get3A = arith.index_cast %add3A_35 : i32 to index
      %get3A_36 = tpu.vector_load %arg7[%get3A] {strides = array<i32>} : memref<10240xi32, #tpu.memory_space<vmem>>, vector<16xi32>,
      %get3A_37 = vector.shape_cast %get3A_36 : vector<16xi32> to vector<16xi32>
      %swap3A = arith.constant 0 : index
      %swap3A_38 = tpu.vector_load %arg9[%swap3A] {strides = array<i32>} : memref<128xi32, #tpu.memory_space<vmem>>, vector<16xi32>,
      %swap3A_39 = vector.shape_cast %swap3A_38 : vector<16xi32> to vector<16xi32>
      %swap3A_40 = vector.shape_cast %get3A_37 : vector<16xi32> to vector<16xi32>
      tpu.vector_store %arg9[%swap3A], %swap3A_40 {strides = array<i32>} : memref<128xi32, #tpu.memory_space<vmem>>, vector<16xi32>,
      %add3A_41 = arith.constant 16 : i32
      %add3A_42 = arith.addi %mul3A_33, %add3A_41 : i32
      %get3A_43 = arith.index_cast %add3A_42 : i32 to index
      %get3A_44 = tpu.vector_load %arg7[%get3A_43] {strides = array<i32>} : memref<10240xi32, #tpu.memory_space<vmem>>, vector<16xi32>,
      %get3A_45 = vector.shape_cast %get3A_44 : vector<16xi32> to vector<16xi32>
      %swap3A_46 = arith.constant 16 : index
      %swap3A_47 = tpu.vector_load %arg9[%swap3A_46] {strides = array<i32>} : memref<128xi32, #tpu.memory_space<vmem>>, vector<16xi32>,
      %swap3A_48 = vector.shape_cast %swap3A_47 : vector<16xi32> to vector<16xi32>
      %swap3A_49 = vector.shape_cast %get3A_45 : vector<16xi32> to vector<16xi32>
      tpu.vector_store %arg9[%swap3A_46], %swap3A_49 {strides = array<i32>} : memref<128xi32, #tpu.memory_space<vmem>>, vector<16xi32>,
      %add3A_50 = arith.constant 32 : i32
      %add3A_51 = arith.addi %mul3A_33, %add3A_50 : i32
      %get3A_52 = arith.index_cast %add3A_51 : i32 to index
      %get3A_53 = tpu.vector_load %arg7[%get3A_52] {strides = array<i32>} : memref<10240xi32, #tpu.memory_space<vmem>>, vector<16xi32>,
      %get3A_54 = vector.shape_cast %get3A_53 : vector<16xi32> to vector<16xi32>
      %swap3A_55 = arith.constant 32 : index
      %swap3A_56 = tpu.vector_load %arg9[%swap3A_55] {strides = array<i32>} : memref<128xi32, #tpu.memory_space<vmem>>, vector<16xi32>,
      %swap3A_57 = vector.shape_cast %swap3A_56 : vector<16xi32> to vector<16xi32>
      %swap3A_58 = vector.shape_cast %get3A_54 : vector<16xi32> to vector<16xi32>
      tpu.vector_store %arg9[%swap3A_55], %swap3A_58 {strides = array<i32>} : memref<128xi32, #tpu.memory_space<vmem>>, vector<16xi32>,
      %add3A_59 = arith.constant 48 : i32
      %add3A_60 = arith.addi %mul3A_33, %add3A_59 : i32
      %get3A_61 = arith.index_cast %add3A_60 : i32 to index
      %get3A_62 = tpu.vector_load %arg7[%get3A_61] {strides = array<i32>} : memref<10240xi32, #tpu.memory_space<vmem>>, vector<16xi32>,
      %get3A_63 = vector.shape_cast %get3A_62 : vector<16xi32> to vector<16xi32>
      %swap3A_64 = arith.constant 48 : index
      %swap3A_65 = tpu.vector_load %arg9[%swap3A_64] {strides = array<i32>} : memref<128xi32, #tpu.memory_space<vmem>>, vector<16xi32>,
      %swap3A_66 = vector.shape_cast %swap3A_65 : vector<16xi32> to vector<16xi32>
      %swap3A_67 = vector.shape_cast %get3A_63 : vector<16xi32> to vector<16xi32>
      tpu.vector_store %arg9[%swap3A_64], %swap3A_67 {strides = array<i32>} : memref<128xi32, #tpu.memory_space<vmem>>, vector<16xi32>,
      %add3A_68 = arith.constant 64 : i32
      %add3A_69 = arith.addi %mul3A_33, %add3A_68 : i32
      %get3A_70 = arith.index_cast %add3A_69 : i32 to index
      %get3A_71 = tpu.vector_load %arg7[%get3A_70] {strides = array<i32>} : memref<10240xi32, #tpu.memory_space<vmem>>, vector<16xi32>,
      %get3A_72 = vector.shape_cast %get3A_71 : vector<16xi32> to vector<16xi32>
      %swap3A_73 = arith.constant 64 : index
      %swap3A_74 = tpu.vector_load %arg9[%swap3A_73] {strides = array<i32>} : memref<128xi32, #tpu.memory_space<vmem>>, vector<16xi32>,
      %swap3A_75 = vector.shape_cast %swap3A_74 : vector<16xi32> to vector<16xi32>
      %swap3A_76 = vector.shape_cast %get3A_72 : vector<16xi32> to vector<16xi32>
      tpu.vector_store %arg9[%swap3A_73], %swap3A_76 {strides = array<i32>} : memref<128xi32, #tpu.memory_space<vmem>>, vector<16xi32>,
      %add3A_77 = arith.constant 80 : i32
      %add3A_78 = arith.addi %mul3A_33, %add3A_77 : i32
      %get3A_79 = arith.index_cast %add3A_78 : i32 to index
      %get3A_80 = tpu.vector_load %arg7[%get3A_79] {strides = array<i32>} : memref<10240xi32, #tpu.memory_space<vmem>>, vector<16xi32>,
      %get3A_81 = vector.shape_cast %get3A_80 : vector<16xi32> to vector<16xi32>
      %swap3A_82 = arith.constant 80 : index
      %swap3A_83 = tpu.vector_load %arg9[%swap3A_82] {strides = array<i32>} : memref<128xi32, #tpu.memory_space<vmem>>, vector<16xi32>,
      %swap3A_84 = vector.shape_cast %swap3A_83 : vector<16xi32> to vector<16xi32>
      %swap3A_85 = vector.shape_cast %get3A_81 : vector<16xi32> to vector<16xi32>
      tpu.vector_store %arg9[%swap3A_82], %swap3A_85 {strides = array<i32>} : memref<128xi32, #tpu.memory_space<vmem>>, vector<16xi32>,
      %add3A_86 = arith.constant 96 : i32
      %add3A_87 = arith.addi %mul3A_33, %add3A_86 : i32
      %get3A_88 = arith.index_cast %add3A_87 : i32 to index
      %get3A_89 = tpu.vector_load %arg7[%get3A_88] {strides = array<i32>} : memref<10240xi32, #tpu.memory_space<vmem>>, vector<16xi32>,
      %get3A_90 = vector.shape_cast %get3A_89 : vector<16xi32> to vector<16xi32>
      %swap3A_91 = arith.constant 96 : index
      %swap3A_92 = tpu.vector_load %arg9[%swap3A_91] {strides = array<i32>} : memref<128xi32, #tpu.memory_space<vmem>>, vector<16xi32>,
      %swap3A_93 = vector.shape_cast %swap3A_92 : vector<16xi32> to vector<16xi32>
      %swap3A_94 = vector.shape_cast %get3A_90 : vector<16xi32> to vector<16xi32>
      tpu.vector_store %arg9[%swap3A_91], %swap3A_94 {strides = array<i32>} : memref<128xi32, #tpu.memory_space<vmem>>, vector<16xi32>,
      %add3A_95 = arith.constant 112 : i32
      %add3A_96 = arith.addi %mul3A_33, %add3A_95 : i32
      %get3A_97 = arith.index_cast %add3A_96 : i32 to index
      %get3A_98 = tpu.vector_load %arg7[%get3A_97] {strides = array<i32>} : memref<10240xi32, #tpu.memory_space<vmem>>, vector<16xi32>,
      %get3A_99 = vector.shape_cast %get3A_98 : vector<16xi32> to vector<16xi32>
      %swap3A_100 = arith.constant 112 : index
      %swap3A_101 = tpu.vector_load %arg9[%swap3A_100] {strides = array<i32>} : memref<128xi32, #tpu.memory_space<vmem>>, vector<16xi32>,
      %swap3A_102 = vector.shape_cast %swap3A_101 : vector<16xi32> to vector<16xi32>
      %swap3A_103 = vector.shape_cast %get3A_99 : vector<16xi32> to vector<16xi32>
      tpu.vector_store %arg9[%swap3A_100], %swap3A_103 {strides = array<i32>} : memref<128xi32, #tpu.memory_space<vmem>>, vector<16xi32>,
      %dma_start3A_104 = arith.constant 0 : i32
      %dma_start3A_105 = arith.constant 0 : i32
      %dma_start3A_106 = tpu.memref_slice %arg4[%dma_start3A_104, %dma_start3A_105] : memref<10000x128xf32, #tpu.memory_space<hbm>> -> memref<10000x128xf32, #tpu.memory_space<hbm>>
      tpu.enqueue_indirect_dma source(%dma_start3A_106 : memref<10000x128xf32, #tpu.memory_space<hbm>>) target(%arg11 : memref<128x128xf32, #tpu.memory_space<vmem>>) offsets(%arg9 : memref<128xi32, #tpu.memory_space<vmem>>) semaphore(%arg14 : memref<!tpu.dma_semaphore, #tpu.memory_space<semaphore_mem>>)
      %dma_wait3A_107 = arith.constant 0 : i32
      %dma_wait3A_108 = arith.constant 0 : i32
      %dma_wait3A_109 = tpu.memref_slice %arg4[%dma_wait3A_107, %dma_wait3A_108] : memref<10000x128xf32, #tpu.memory_space<hbm>> -> memref<10000x128xf32, #tpu.memory_space<hbm>>
      tpu.wait_indirect_dma semaphore(%arg14 : memref<!tpu.dma_semaphore, #tpu.memory_space<semaphore_mem>>) src(%dma_wait3A_109 : memref<10000x128xf32, #tpu.memory_space<hbm>>) dst(%arg11 : memref<128x128xf32, #tpu.memory_space<vmem>>)
    }
    %scan3A_27 = arith.constant 80 : i32
    %barrier3A_28 = arith.constant 0 : index
    tpu.barrier barrier_id(%barrier3A_28)
    %mul3A_29 = arith.constant 640 : i32
    %mul3A_30 = arith.muli %arg1, %mul3A_29 : i32
    "tpu.region"() ({
      %run_scoped3A = tpu.sem_alloc : memref<!tpu.dma_semaphore, #tpu.memory_space<semaphore_mem>>
      %dma_start3A_31 = arith.constant 0 : i32
      %dma_start3A_32 = tpu.memref_slice %arg5[%arg0, %mul3A_30, %dma_start3A_31] : memref<2x10240x128xf32, #tpu.memory_space<hbm>> -> memref<1x640x128xf32, #tpu.memory_space<hbm>>
      %dma_start3A_33 = tpu.memref_squeeze %dma_start3A_32 : memref<1x640x128xf32, #tpu.memory_space<hbm>> -> memref<640x128xf32, #tpu.memory_space<hbm>>
      %dma_start3A_34 = arith.constant 0 : i32
      %dma_start3A_35 = tpu.memref_slice %arg12[%mul3A_30, %dma_start3A_34] : memref<10240x128xf32, #tpu.memory_space<vmem_shared>> -> memref<640x128xf32, #tpu.memory_space<vmem_shared>>
      tpu.enqueue_dma source(%dma_start3A_35 : memref<640x128xf32, #tpu.memory_space<vmem_shared>>) target(%dma_start3A_33 : memref<640x128xf32, #tpu.memory_space<hbm>>) target_semaphore(%run_scoped3A : memref<!tpu.dma_semaphore, #tpu.memory_space<semaphore_mem>>)
      %dma_wait3A_36 = arith.constant 0 : i32
      %dma_wait3A_37 = tpu.memref_slice %arg5[%arg0, %mul3A_30, %dma_wait3A_36] : memref<2x10240x128xf32, #tpu.memory_space<hbm>> -> memref<1x640x128xf32, #tpu.memory_space<hbm>>
      %dma_wait3A_38 = tpu.memref_squeeze %dma_wait3A_37 : memref<1x640x128xf32, #tpu.memory_space<hbm>> -> memref<640x128xf32, #tpu.memory_space<hbm>>
      %dma_wait3A_39 = arith.constant 0 : i32
      %dma_wait3A_40 = tpu.memref_slice %arg12[%mul3A_30, %dma_wait3A_39] : memref<10240x128xf32, #tpu.memory_space<vmem_shared>> -> memref<640x128xf32, #tpu.memory_space<vmem_shared>>
      tpu.wait_dma2 semaphore(%run_scoped3A : memref<!tpu.dma_semaphore, #tpu.memory_space<semaphore_mem>>) src(%dma_wait3A_40 : memref<640x128xf32, #tpu.memory_space<vmem_shared>>) dst(%dma_wait3A_38 : memref<640x128xf32, #tpu.memory_space<hbm>>)
      tpu.yield
    }) : () -> ()
    return
  }
}

module attributes {stable_mosaic.version = 14 : i64} {
  func.func @body(%arg0: i32, %arg1: memref<400x128xf32, #tpu.memory_space<vmem>>, %arg2: memref<128x128xf32, #tpu.memory_space<vmem>>, %arg3: memref<400x128xf32, #tpu.memory_space<vmem>>) attributes {dimension_semantics = [#tpu.dimension_semantics<arbitrary>], iteration_bounds = array<i64: 25>, scalar_prefetch = 0 : i64, scratch_operands = 0 : i64, tpu.core_type = #tpu.core_type<tc>, window_params = [{transform_indices = @transform_0, window_bounds = array<i64: 400, 128>}, {pipeline_mode = #tpu.pipeline_mode<synchronous>, transform_indices = @transform_1, window_bounds = array<i64: 128, 128>}, {transform_indices = @transform_2, window_bounds = array<i64: 400, 128>}]} {
    %get3A = arith.constant 0 : index
    %get3A_0 = arith.constant 0 : index
    %get3A_1 = vector.load %arg1[%get3A, %get3A_0] : memref<400x128xf32, #tpu.memory_space<vmem>>, vector<400x128xf32>
    %get3A_2 = arith.constant 0 : index
    %get3A_3 = arith.constant 0 : index
    %get3A_4 = vector.load %arg2[%get3A_2, %get3A_3] : memref<128x128xf32, #tpu.memory_space<vmem>>, vector<128x128xf32>
    %dot_general3A = arith.constant dense<0.000000e+00> : vector<400x128xf32>
    %dot_general3A_5 = tpu.matmul %get3A_1, %get3A_4, %dot_general3A {dimension_numbers = #tpu.dot_dimension_numbers<[1], [0], [0], [1], [0, 0, 1, 1], [], []>, transpose_lhs_hint = false} : vector<400x128xf32>, vector<128x128xf32>, vector<400x128xf32> -> vector<400x128xf32>
    %swap3A = arith.constant 0 : index
    %swap3A_6 = arith.constant 0 : index
    %swap3A_7 = vector.load %arg3[%swap3A, %swap3A_6] : memref<400x128xf32, #tpu.memory_space<vmem>>, vector<400x128xf32>
    tpu.vector_store %arg3[%swap3A, %swap3A_6], %dot_general3A_5 {strides = array<i32>} : memref<400x128xf32, #tpu.memory_space<vmem>>, vector<400x128xf32>,
    return
  }
  func.func @transform_0(%arg0: i32) -> (i32, i32) {
    %c0_i32 = arith.constant 0 : i32
    %c0_i32_0 = arith.constant 0 : i32
    return %arg0, %c0_i32 : i32, i32
  }
  func.func @transform_1(%arg0: i32) -> (i32, i32) {
    %c0_i32 = arith.constant 0 : i32
    %c0_i32_0 = arith.constant 0 : i32
    %c0_i32_1 = arith.constant 0 : i32
    return %c0_i32, %c0_i32_0 : i32, i32
  }
  func.func @transform_2(%arg0: i32) -> (i32, i32) {
    %c0_i32 = arith.constant 0 : i32
    %c0_i32_0 = arith.constant 0 : i32
    return %arg0, %c0_i32 : i32, i32
  }
}

module attributes {stable_mosaic.version = 14 : i64} {
  func.func @body(%arg0: i32, %arg1: memref<400x128xf32, #tpu.memory_space<vmem>>, %arg2: memref<128x128xf32, #tpu.memory_space<vmem>>, %arg3: memref<2x400x128xf32, #tpu.memory_space<vmem>>, %arg4: memref<400x128xf32, #tpu.memory_space<vmem>>) attributes {dimension_semantics = [#tpu.dimension_semantics<arbitrary>], iteration_bounds = array<i64: 25>, scalar_prefetch = 0 : i64, scratch_operands = 0 : i64, tpu.core_type = #tpu.core_type<tc>, window_params = [{transform_indices = @transform_0, window_bounds = array<i64: 400, 128>}, {pipeline_mode = #tpu.pipeline_mode<synchronous>, transform_indices = @transform_1, window_bounds = array<i64: 128, 128>}, {transform_indices = @transform_2, window_bounds = array<i64: 2, 400, 128>}, {transform_indices = @transform_3, window_bounds = array<i64: 400, 128>}]} {
    %get3A = arith.constant 0 : index
    %get3A_0 = arith.constant 0 : index
    %get3A_1 = vector.load %arg1[%get3A, %get3A_0] : memref<400x128xf32, #tpu.memory_space<vmem>>, vector<400x128xf32>
    %get3A_2 = arith.constant 0 : index
    %get3A_3 = arith.constant 0 : index
    %get3A_4 = vector.load %arg2[%get3A_2, %get3A_3] : memref<128x128xf32, #tpu.memory_space<vmem>>, vector<128x128xf32>
    %dot_general3A = arith.constant dense<0.000000e+00> : vector<400x128xf32>
    %dot_general3A_5 = tpu.matmul %get3A_1, %get3A_4, %dot_general3A {dimension_numbers = #tpu.dot_dimension_numbers<[1], [0], [0], [1], [0, 0, 1, 1], [], []>, transpose_lhs_hint = false} : vector<400x128xf32>, vector<128x128xf32>, vector<400x128xf32> -> vector<400x128xf32>
    %get3A_6 = arith.constant 0 : index
    %get3A_7 = arith.constant 0 : index
    %get3A_8 = arith.constant 0 : index
    %get3A_9 = vector.load %arg3[%get3A_6, %get3A_7, %get3A_8] : memref<2x400x128xf32, #tpu.memory_space<vmem>>, vector<1x400x128xf32>
    %get3A_10 = vector.shape_cast %get3A_9 : vector<1x400x128xf32> to vector<400x128xf32>
    %add3A = arith.addf %dot_general3A_5, %get3A_10 : vector<400x128xf32>
    %get3A_11 = arith.constant 1 : index
    %get3A_12 = arith.constant 0 : index
    %get3A_13 = arith.constant 0 : index
    %get3A_14 = vector.load %arg3[%get3A_11, %get3A_12, %get3A_13] : memref<2x400x128xf32, #tpu.memory_space<vmem>>, vector<1x400x128xf32>
    %get3A_15 = vector.shape_cast %get3A_14 : vector<1x400x128xf32> to vector<400x128xf32>
    %add3A_16 = arith.addf %add3A, %get3A_15 : vector<400x128xf32>
    %max3A = arith.constant 0.000000e+00 : f32
    %max3A_17 = vector.broadcast %max3A : f32 to vector<400x128xf32>
    %max3A_18 = arith.maximumf %add3A_16, %max3A_17 : vector<400x128xf32>
    %swap3A = arith.constant 0 : index
    %swap3A_19 = arith.constant 0 : index
    %swap3A_20 = vector.load %arg4[%swap3A, %swap3A_19] : memref<400x128xf32, #tpu.memory_space<vmem>>, vector<400x128xf32>
    tpu.vector_store %arg4[%swap3A, %swap3A_19], %max3A_18 {strides = array<i32>} : memref<400x128xf32, #tpu.memory_space<vmem>>, vector<400x128xf32>,
    return
  }
  func.func @transform_0(%arg0: i32) -> (i32, i32) {
    %c0_i32 = arith.constant 0 : i32
    %c0_i32_0 = arith.constant 0 : i32
    return %arg0, %c0_i32 : i32, i32
  }
  func.func @transform_1(%arg0: i32) -> (i32, i32) {
    %c0_i32 = arith.constant 0 : i32
    %c0_i32_0 = arith.constant 0 : i32
    %c0_i32_1 = arith.constant 0 : i32
    return %c0_i32, %c0_i32_0 : i32, i32
  }
  func.func @transform_2(%arg0: i32) -> (i32, i32, i32) {
    %c0_i32 = arith.constant 0 : i32
    %c0_i32_0 = arith.constant 0 : i32
    %c0_i32_1 = arith.constant 0 : i32
    return %c0_i32, %arg0, %c0_i32_0 : i32, i32, i32
  }
  func.func @transform_3(%arg0: i32) -> (i32, i32) {
    %c0_i32 = arith.constant 0 : i32
    %c0_i32_0 = arith.constant 0 : i32
    return %arg0, %c0_i32 : i32, i32
  }
}

</mosaic_0001>

<sc_bundles>
// kernel: kernel.5.cloned.1.call-start
scs
__scs_entry_jumppad:
0x0: {  	(pc) =	sbr.rel $0x88, $3  }
0x1: {  	(tag) =	ssettag $0x0;
	lr =	simm.s32 $0x1  }
0x2: {  	[smem:$0x3F9D] =	sst lr;
	_ =	strace $0xD0000000  }
0x3: {  	_ = 	snop  }
0x4: {  	_ = 	snop  }
0x5: {  	_ = 	snop  }
0x6: {  	_ = 	snop  }
0x7: {  	_ = 	snop  }
__scs_overlays_trampoline_lowered:
0x8: {  	[smem:$0x3FAC] =	sst s0  }
0x9: {  	[smem:$0x3FAD] =	sst s1  }
0xa: {  	[smem:$0x3FAE] =	sst s2  }
0xb: {  	[smem:$0x3FAF] =	sst s3  }
0xc: {  	[smem:$0x3FB0] =	sst s4  }
0xd: {  	[smem:$0x3FB1] =	sst s5  }
0xe: {  	[smem:$0x3FB2] =	sst s6  }
0xf: {  	[smem:$0x3FB3] =	sst s7  }
0x10: {  	[smem:$0x3FB4] =	sst s8  }
0x11: {  	[smem:$0x3FB5] =	sst s9;
	s0 =	simm.s32 @!p0 $0x0  }
0x12: {  	s1 =	sld [smem:$0x3F9B];
	s0 =	simm.s32 @p0 $0x1  }
0x13: {  	[smem:$0x3FB6] =	sst s0;
	s0 =	simm.s32 @!p1 $0x0  }
0x14: {  	s2 =	sld [smem:$0x3F9A];
	s0 =	simm.s32 @p1 $0x1  }
0x15: {  	[smem:$0x3FB7] =	sst s0;
	s0 =	simm.s32 @!p2 $0x0  }
0x16: {  	s3 =	sld [smem:$0x3FDB];
	s0 =	simm.s32 @p2 $0x1  }
0x17: {  	s4 =	simm.s32 $0x1BF5;
	[smem:$0x3FB9] =	sst s0  }
0x18: {  	s0 =	sld [smem:$0x3F9C];
	_ =	swait.ge [sflag:s4], $0x0  }
0x19: {  	s7 =	sld [smem:$0x3F9D]  }
0x1a: {  	s8 =	sadd.s32 $0xFFFFE003, lr  }
0x1b: {  	s9 =	sadd.s32 $0xFFFFFEF7, lr;
	s5 =	simm.s32 $0xFFFFFFFF;
	p2 =	slt.u32 s8, $0xFFFFF086  }
0x1c: {  	p1 =	slt.u32 s9, $0xF7A;
	s5 =	simm.s32 @!p2 $0x0  }
0x1d: {  	s5 =	simm.s32 @p1 $0x1;
	p0 =	seq.s32 s7, s2  }
0x1e: {  	s7 =	smul.u32 @!p0 $0xF7A, s2;
	p2 =	seq.s32 @!p0 s5, $0x0  }
0x1f: {  	s9 =	smul.u32 $0xF7A, s1;
	s8 =	simm.s32 @!p0 $0x1BF5;
	p2 =	por !p2, p0  }
0x20: {  	[sflag:s8] =	ssyncset.s32 @!p0 $0xFFFFF086;
	s6 =	sadd.s32 @!p0 s3, s7;
	s7 =	simm.s32 @!p0 $0x108  }
0x21: {  	s3 =	sadd.s32 s3, s9;
	s6 =	sadd.s32 @!p0 $0x88, s6;
	s7 =	simm.s32 @p2 $0x1082  }
0x22: {  	[simem:s7], [sflag:s8] =	dma.local @!p0 [hbm:s6], $0xF7A  }
0x23: {  	s9 =	sor.u32 $0xD0000000, s2;
	s6 =	simm.s32 $0x108;
	_ =	swait.ge @!p0 [sflag:s8], $0x0  }
0x24: {  	s3 =	sadd.s32 $0x88, s3;
	s6 =	simm.s32 @!p1 $0x1082;
	[sflag:s4] =	ssyncset.s32 $0xFFFFF086  }
0x25: {  	[simem:s6], [sflag:s4] =	dma.local [hbm:s3], $0xF7A  }
0x26: {  	[smem:$0x3F9D] =	sst s1;
	(tag) =	ssettag s2;
	_ =	strace s9  }
0x27: {  	s1 =	sld [smem:$0x3FAD]  }
0x28: {  	s2 =	sld [smem:$0x3FAE]  }
0x29: {  	s4 =	sld [smem:$0x3FB0]  }
0x2a: {  	p0 =	seq.s32 s5, $0x0;
	s5 =	sld [smem:$0x3FB1]  }
0x2b: {  	s6 =	sld [smem:$0x3FB2]  }
0x2c: {  	s7 =	sld [smem:$0x3FB3]  }
0x2d: {  	s3 =	simm.s32 $0x108;
	s8 =	sld [smem:$0x3FB4]  }
0x2e: {  	s3 =	simm.s32 @!p0 $0x1082;
	s9 =	sld [smem:$0x3FB5]  }
0x2f: {  	lr =	sadd.s32 s0, s3;
	s0 =	sld [smem:$0x3FAC]  }
0x30: {  	s3 =	sld [smem:$0x3FAF]  }
0x31: {  	[smem:$0x3FB8] =	sst s10  }
0x32: {  	s10 =	sld [smem:$0x3FB6];
	_ =	sdelay $0x3  }
0x33: {  	p0 =	seq.s32 s10, $0x1;
	s10 =	sld [smem:$0x3FB8];
	_ =	sdelay $0x3  }
0x34: {  	[smem:$0x3FB8] =	sst s10  }
0x35: {  	s10 =	sld [smem:$0x3FB7];
	_ =	sdelay $0x3  }
0x36: {  	p1 =	seq.s32 s10, $0x1;
	s10 =	sld [smem:$0x3FB8];
	_ =	sdelay $0x3  }
0x37: {  	[smem:$0x3FB8] =	sst s10  }
0x38: {  	s10 =	sld [smem:$0x3FB9]  }
0x39: {  	_ = 	snop;
	(pc) =	sbr.ind lr, $3  }
0x3a: {  	_ = 	snop  }
0x3b: {  	_ = 	snop  }
0x3c: {  	p2 =	seq.s32 s10, $0x1;
	s10 =	sld [smem:$0x3FB8]  }
0x3d: {  	_ =	shalt  }
0x3e: {  	_ =	shalt  }
0x3f: {  	_ =	shalt  }
0x40: {  	_ =	shalt  }
0x41: {  	_ =	shalt  }
0x42: {  	_ =	shalt  }
0x43: {  	_ =	shalt  }
0x44: {  	_ =	shalt  }
0x45: {  	_ =	shalt  }
0x46: {  	_ =	shalt  }
0x47: {  	_ =	shalt  }
0x48: {  	_ =	shalt  }
0x49: {  	_ =	shalt  }
0x4a: {  	_ =	shalt  }
0x4b: {  	_ =	shalt  }
0x4c: {  	_ =	shalt  }
0x4d: {  	_ =	shalt  }
0x4e: {  	_ =	shalt  }
0x4f: {  	_ =	shalt  }
0x50: {  	_ =	shalt  }
0x51: {  	_ =	shalt  }
0x52: {  	_ =	shalt  }
0x53: {  	_ =	shalt  }
0x54: {  	_ =	shalt  }
0x55: {  	_ =	shalt  }
0x56: {  	_ =	shalt  }
0x57: {  	_ =	shalt  }
0x58: {  	_ =	shalt  }
0x59: {  	_ =	shalt  }
0x5a: {  	_ =	shalt  }
0x5b: {  	_ =	shalt  }
0x5c: {  	_ =	shalt  }
0x5d: {  	_ =	shalt  }
0x5e: {  	_ =	shalt  }
0x5f: {  	_ =	shalt  }
0x60: {  	_ =	shalt  }
0x61: {  	_ =	shalt  }
0x62: {  	_ =	shalt  }
0x63: {  	_ =	shalt  }
0x64: {  	_ =	shalt  }
0x65: {  	_ =	shalt  }
0x66: {  	_ =	shalt  }
0x67: {  	_ =	shalt  }
0x68: {  	_ =	shalt  }
0x69: {  	_ =	shalt  }
0x6a: {  	_ =	shalt  }
0x6b: {  	_ =	shalt  }
0x6c: {  	_ =	shalt  }
0x6d: {  	_ =	shalt  }
0x6e: {  	_ =	shalt  }
0x6f: {  	_ =	shalt  }
0x70: {  	_ =	shalt  }
0x71: {  	_ =	shalt  }
0x72: {  	_ =	shalt  }
0x73: {  	_ =	shalt  }
0x74: {  	_ =	shalt  }
0x75: {  	_ =	shalt  }
0x76: {  	_ =	shalt  }
0x77: {  	_ =	shalt  }
0x78: {  	_ =	shalt  }
0x79: {  	_ =	shalt  }
0x7a: {  	_ =	shalt  }
0x7b: {  	_ =	shalt  }
0x7c: {  	_ =	shalt  }
0x7d: {  	_ =	shalt  }
0x7e: {  	_ =	shalt  }
0x7f: {  	_ =	shalt  }
0x80: {  	_ =	shalt  }
0x81: {  	_ =	shalt  }
0x82: {  	_ =	shalt  }
0x83: {  	_ =	shalt  }
0x84: {  	_ =	shalt  }
0x85: {  	_ =	shalt  }
0x86: {  	_ =	shalt  }
0x87: {  	_ =	shalt  }
.Lfunc_end0:
.L_simem_size_0:
called_computation_lowered:
.L_overlay_start_0:
0x88: {  	s2 =	sld [smem:$0x3FD9]  }
0x89: {  	s3 =	sld [smem:$0x3FFE];
	_ =	sdelay $0x1  }
0x8a: {  	s1 =	srdreg.scid  }
0x8b: {  	s0 =	sand.u32 $0x1, s1  }
0x8c: {  	s17 =	sshll.u32 s0, $0xA;
	s2 =	sadd.s32 s3, s2  }
0x8d: {  	s2 =	sadd.s32 s2, s17  }
0x8e: {  	[smem:$0x3FC4] =	sst s2  }
0x8f: {  	_ = 	snop  }
0x90: {  	s2 =	sld [smem:$0x3FD0];
	(tm) =	ssettm $0x1  }
0x91: {  	s18 =	sld [smem:$0x3FFB];
	_ =	sdelay $0x3  }
0x92: {  	_ =	strace s18  }
0x93: {  	s3 =	sld [smem:$0x3FFC];
	_ =	sdelay $0x3  }
0x94: {  	_ =	strace s3  }
0x95: {  	s3 =	sld [smem:$0x3FFD];
	_ =	sdelay $0x3  }
0x96: {  	_ =	strace s3  }
0x97: {  	_ =	strace $0x8FFFFFFF  }
0x98: {  	s19 =	sld [smem:$0x3FDB];
	_ =	sdelay $0x1  }
0x99: {  	s4 =	simm.s32 $_scs_section_size  }
0x9a: {  	s5 =	simm.s32 $_size__tile_overlayer_lowered;
	s6 =	simm.s32 $_tile_overlayer_lowered  }
0x9b: {  	s22 =	simm.s32 $0x1BFF;
	s21 =	sshll.u32 s6, $0x1;
	s3 =	sadd.s32 s4, s19  }
0x9c: {  	s7 =	simm.s32 $0x0;
	s20 =	sshll.u32 s5, $0x1;
	s5 =	sadd.s32 s21, s3  }
0x9d: {  	[timem:s7], [sflag:s22] =	dma.local [hbm:s5], s20  }
0x9e: {  	_ =	swait.ge [sflag:s22], s20  }
0x9f: {  	s4 =	ssub.s32 $0x0, s20;
	[sflag:s22] =	ssyncset.done $0x0  }
0xa0: {  	[sflag:s22] =	ssyncadd.s32 s4;
	_ =	sdelay $0x1  }
0xa1: {  	s23 =	simm.s32 $0x1B8B  }
0xa2: {  	_ =	swait.ge [sflag:s23], $0x1  }
0xa3: {  	[sflag:s23] =	ssyncset.done $0x0  }
0xa4: {  	s25 =	simm.s32 $0x1B8E;
	s24 =	sld [smem:$0x3FFE];
	[sflag:s23] =	ssyncadd.s32 $0xFFFFFFFF  }
0xa5: {  	s26 =	simm.s32 $execute0_lowered;
	[smem:$0x3FD2] =	sst s25  }
0xa6: {  	s5 =	sshll.u32 s26, $0x1;
	_ =	strace $0x80000046;
	[dreg:$0x1] =	wrdreg $0xFFFFFFFF  }
0xa7: {  	s28 =	simm.s32 $_size_execute0_lowered;
	s3 =	sadd.s32 s3, s5;
	[dreg:$0x0] =	wrdreg $0x0  }
0xa8: {  	s5 =	sshll.u32 s28, $0x1;
	[dreg:$0x2] =	wrdreg s3  }
0xa9: {  	[dreg:$0x3] =	wrdreg s5  }
0xaa: {  	[dreg:$0x4] =	wrdreg $0xC0  }
0xab: {  	_ =	task [dreg:s7], $0x5FFFF  }
0xac: {  	[dreg:$0x1] =	wrdreg $0xFFFFFFFF  }
0xad: {  	[dreg:$0x0] =	wrdreg $0x60  }
0xae: {  	[dreg:$0x2] =	wrdreg s24  }
0xaf: {  	[dreg:$0x3] =	wrdreg s2  }
0xb0: {  	[dreg:$0x4] =	wrdreg $0xA0800  }
0xb1: {  	[dreg:$0x5] =	wrdreg $0x9  }
0xb2: {  	_ =	task.clear_ibuf [dreg:s7], $0x6FFFF;
	_ =	strace $0x90000046  }
0xb3: {  	s29 =	simm.s32 $0x9;
	_ =	strace $0x80000048  }
0xb4: {  	_ =	swait.ge [sflag:s29], $0x1  }
0xb5: {  	[sflag:s29] =	ssyncadd.s32 $0xFFFFFFFF  }
0xb6: {  	_ =	strace $0x90000048  }
0xb7: {  	_ =	sfence  }
0xb8: {  	s30 =	sld [smem:$0x0];
	_ =	sdelay $0x2  }
0xb9: {  	s31 =	sshll.u32 s1, $0xD;
	s1 =	sshrl.u32 s1, $0x2  }
0xba: {  	s3 =	sand.u32 $0x4000, s31;
	s1 =	sadd.s32 s1, s30  }
0xbb: {  	s0 =	sor.u32 s3, s0;
	s1 =	sshll.u32 s1, $0x11  }
0xbc: {  	s0 =	sor.u32 s1, s0  }
0xbd: {  	s0 =	sadd.s32 $0x8F2B, s0  }
0xbe: {  	[sflag:s0] =	ssyncadd.remote.s32 $0x1  }
0xbf: {  	_ =	sfence.sel $0xFFFF  }
0xc0: {  	[dreg:$0x0] =	wrdreg $0xFFFFFFFF;
	(pc) =	sbr.abs _section_cstart, $3  }
0xc1: {  	[dreg:$0x1] =	wrdreg $0xFFFFFFFF  }
0xc2: {  	_ =	task.clear_ibuf [dreg:s7], $0x2FFFF;
	_ =	strace $0x9FFFFFFF  }
0xc3: {  	(tm) =	ssettm $0x7FFFFFFF  }
tec
execute0_lowered:
.L_overlay_start_1:
0x0: {  	(tag) =	ssettag $0x1  }
0x1: {  	s1 =	rddreg [dreg:$0x0]  }
0x2: {  	s0 =	srdreg.scid;
	s2 =	rddreg [dreg:$0x1]  }
0x3: {  	s7 =	stileid.u32;
	s4 =	rddreg [dreg:$0x2];
	s6 =	simm.s32 $0x0  }
0x4: {  	s31 =	simm.s32 $0x3;
	s29 =	simm.s32 $0x80;
	s30 =	simm.s32 $0x6000  }
0x5: {  	s0 =	sand.u32 $0x1, s0;
	s3 =	sshll.u32 s7, $0x1;
	s21 =	smul.u32 $0x14000, s7  }
0x6: {  	[smem:$0x7FF] =	sst s6;
	s22 =	smul.u32 $0x50000, s7;
	s3 =	sor.u32 s0, s3  }
0x7: {  	s5 =	smul.u32 $0x140000, s0;
	_ =	strace $0x80000047;
	s0 =	ssub.s32 $0x2, s0  }
0x8: {  	s3 =	smul.u32 $0x2800, s3;
	s23 =	sshrl.u32 s0, $0x1;
	s24 =	sshrl.u32 s22, $0x2  }
0x9: {  	s5 =	sadd.s32 s21, s5;
	s0 =	ssub.s32 s0, s23;
	s6 =	sadd.s32 s24, s4  }
0xa: {  	s4 =	simm.s32 $0x0;
	s3 =	sshrl.u32 s3, $0x3;
	s5 =	sshrl.u32 s5, $0x3  }
0xb: {  	s0 =	smax.u32 s0, $0x1;
	s26 =	sadd.s32 $0x1000, s6;
	s10 =	sadd.s32 $0x2000, s6  }
0xc: {  	s11 =	sadd.s32 $0x3000, s6;
	s12 =	sadd.s32 $0x4000, s6;
	s13 =	sadd.s32 $0x5000, s6  }
0xd: {  	s14 =	sadd.s32 $0x6000, s6;
	s15 =	sadd.s32 $0x7000, s6;
	s16 =	sadd.s32 $0x8000, s6  }
0xe: {  	s17 =	sadd.s32 $0x9000, s6;
	s18 =	sadd.s32 $0xA000, s6;
	s19 =	sadd.s32 $0xB000, s6  }
0xf: {  	s20 =	sadd.s32 $0xC000, s6;
	s21 =	sadd.s32 $0xD000, s6;
	s22 =	sadd.s32 $0xE000, s6  }
0x10: {  	s23 =	sadd.s32 $0xF000, s6;
	s3 =	sadd.s32 s3, s1;
	[dreg:$0x7] =	wrdreg s0  }
0x11: {  	s24 =	sadd.s32 $0x10000, s6;
	[dreg:$0x8] =	wrdreg s26;
	s25 =	sadd.s32 $0x600, s3  }
0x12: {  	s1 =	sadd.s32 s5, s1;
	s3 =	sadd.s32 $0xA600, s3;
	[dreg:$0x4] =	wrdreg s25  }
0x13: {  	s28 =	sadd.s32 $0x13000, s6;
	s1 =	sadd.s32 $0x14600, s1;
	[dreg:$0x5] =	wrdreg s3  }
0x14: {  	s26 =	sadd.s32 $0x12000, s6;
	s0 =	simm.s32 $0x2;
	[dreg:$0x6] =	wrdreg s1  }
0x15: {  	v0 =	vimm.f32 $0.0e+00;
	s25 =	sadd.s32 $0x11000, s6;
	s1 =	simm.s32 $0x1;
	s3 =	simm.s32 $0x6080  }
.LBB2_1:
0x16: {  	s5 =	simm.s32 $0x0;
	s7 =	rddreg [dreg:$0x4];
	s8 =	simm.s32 $0x1000  }
0x17: {  	[tilespmem:s8], [sflag:$0x1] =	stream.linear.gather [hbm4b:s7+s5], $0x2800, $0x38;
	[tilespmem:$0x1E080] =	vst v63  }
0x18: {  	s9 =	simm.s32 $0x3800;
	s8 =	rddreg [dreg:$0x5]  }
0x19: {  	[tilespmem:s9], [sflag:$0x2] =	stream.linear.gather [hbm4b:s8+s5], $0x2800, $0x38;
	[tilespmem:$0x1E080] =	vst v63  }
0x1a: {  	s7 =	simm.s32 $0x200;
	s5 =	simm.s32 $0x0  }
.LBB2_2:
0x1b: {  	p0 =	sne.s32 s7, $0x3E00;
	[tilespmem:s5+$0x70] =	vst v0  }
0x1c: {  	[tilespmem:s5+$0x0] =	vst v0  }
0x1d: {  	[tilespmem:s5+$0x10] =	vst v0  }
.Ltmp0:
0x1e: {  	[tilespmem:s5+$0x20] =	vst v0;
	(pc) =	sbr.rel @p0 .LBB2_2-.Ltmp0, $4  }
0x1f: {  	[tilespmem:s5+$0x30] =	vst v0  }
0x20: {  	[tilespmem:s5+$0x40] =	vst v0  }
0x21: {  	[tilespmem:s5+$0x50] =	vst v0  }
0x22: {  	[tilespmem:s5+$0x60] =	vst v0;
	s5 =	sshra.s32 s7, $0x2;
	s7 =	sadd.s32 $0x200, s7  }
0x23: {  	[tilespmem:s5+$0x70] =	vst v0  }
0x24: {  	[tilespmem:s5+$0x0] =	vst v0  }
0x25: {  	[tilespmem:s5+$0x10] =	vst v0  }
0x26: {  	[tilespmem:s5+$0x20] =	vst v0  }
0x27: {  	[tilespmem:s5+$0x30] =	vst v0  }
0x28: {  	[tilespmem:s5+$0x40] =	vst v0  }
0x29: {  	[tilespmem:s5+$0x50] =	vst v0  }
0x2a: {  	[tilespmem:s5+$0x60] =	vst v0;
	s8 =	simm.s32 $0x0  }
0x2b: {  	[spmem:s6] =	stream.linear.scatter [tilespmem:s8], [sflag:$0x3], $0x1000, $0x38;
	[tilespmem:$0x1E080] =	vst v63  }
0x2c: {  	_ =	swait.ge [sflag:s31], $0x1000  }
0x2d: {  	[sflag:s31] =	ssyncset.done $0x0  }
0x2e: {  	s7 =	rddreg [dreg:$0x8];
	[sflag:s31] =	ssyncadd.s32 $0xFFFFF000  }
0x2f: {  	[spmem:s7] =	stream.linear.scatter [tilespmem:s8], [sflag:$0x3], $0x1000, $0x38;
	[tilespmem:$0x1E080] =	vst v63  }
0x30: {  	_ =	swait.ge [sflag:s31], $0x1000  }
0x31: {  	[sflag:s31] =	ssyncset.done $0x0  }
0x32: {  	[sflag:s31] =	ssyncadd.s32 $0xFFFFF000  }
0x33: {  	[spmem:s10] =	stream.linear.scatter [tilespmem:s8], [sflag:$0x3], $0x1000, $0x38;
	[tilespmem:$0x1E080] =	vst v63  }
0x34: {  	_ =	swait.ge [sflag:s31], $0x1000  }
0x35: {  	[sflag:s31] =	ssyncset.done $0x0  }
0x36: {  	[sflag:s31] =	ssyncadd.s32 $0xFFFFF000  }
0x37: {  	[spmem:s11] =	stream.linear.scatter [tilespmem:s8], [sflag:$0x3], $0x1000, $0x38;
	[tilespmem:$0x1E080] =	vst v63  }
0x38: {  	_ =	swait.ge [sflag:s31], $0x1000  }
0x39: {  	[sflag:s31] =	ssyncset.done $0x0  }
0x3a: {  	[sflag:s31] =	ssyncadd.s32 $0xFFFFF000  }
0x3b: {  	[spmem:s12] =	stream.linear.scatter [tilespmem:s8], [sflag:$0x3], $0x1000, $0x38;
	[tilespmem:$0x1E080] =	vst v63  }
0x3c: {  	_ =	swait.ge [sflag:s31], $0x1000  }
0x3d: {  	[sflag:s31] =	ssyncset.done $0x0  }
0x3e: {  	[sflag:s31] =	ssyncadd.s32 $0xFFFFF000  }
0x3f: {  	[spmem:s13] =	stream.linear.scatter [tilespmem:s8], [sflag:$0x3], $0x1000, $0x38;
	[tilespmem:$0x1E080] =	vst v63  }
0x40: {  	_ =	swait.ge [sflag:s31], $0x1000  }
0x41: {  	[sflag:s31] =	ssyncset.done $0x0  }
0x42: {  	[sflag:s31] =	ssyncadd.s32 $0xFFFFF000  }
0x43: {  	[spmem:s14] =	stream.linear.scatter [tilespmem:s8], [sflag:$0x3], $0x1000, $0x38;
	[tilespmem:$0x1E080] =	vst v63  }
0x44: {  	_ =	swait.ge [sflag:s31], $0x1000  }
0x45: {  	[sflag:s31] =	ssyncset.done $0x0  }
0x46: {  	[sflag:s31] =	ssyncadd.s32 $0xFFFFF000  }
0x47: {  	[spmem:s15] =	stream.linear.scatter [tilespmem:s8], [sflag:$0x3], $0x1000, $0x38;
	[tilespmem:$0x1E080] =	vst v63  }
0x48: {  	_ =	swait.ge [sflag:s31], $0x1000  }
0x49: {  	[sflag:s31] =	ssyncset.done $0x0  }
0x4a: {  	[sflag:s31] =	ssyncadd.s32 $0xFFFFF000  }
0x4b: {  	[spmem:s16] =	stream.linear.scatter [tilespmem:s8], [sflag:$0x3], $0x1000, $0x38;
	[tilespmem:$0x1E080] =	vst v63  }
0x4c: {  	_ =	swait.ge [sflag:s31], $0x1000  }
0x4d: {  	[sflag:s31] =	ssyncset.done $0x0  }
0x4e: {  	[sflag:s31] =	ssyncadd.s32 $0xFFFFF000  }
0x4f: {  	[spmem:s17] =	stream.linear.scatter [tilespmem:s8], [sflag:$0x3], $0x1000, $0x38;
	[tilespmem:$0x1E080] =	vst v63  }
0x50: {  	_ =	swait.ge [sflag:s31], $0x1000  }
0x51: {  	[sflag:s31] =	ssyncset.done $0x0  }
0x52: {  	[sflag:s31] =	ssyncadd.s32 $0xFFFFF000  }
0x53: {  	[spmem:s18] =	stream.linear.scatter [tilespmem:s8], [sflag:$0x3], $0x1000, $0x38;
	[tilespmem:$0x1E080] =	vst v63  }
0x54: {  	_ =	swait.ge [sflag:s31], $0x1000  }
0x55: {  	[sflag:s31] =	ssyncset.done $0x0  }
0x56: {  	[sflag:s31] =	ssyncadd.s32 $0xFFFFF000  }
0x57: {  	[spmem:s19] =	stream.linear.scatter [tilespmem:s8], [sflag:$0x3], $0x1000, $0x38;
	[tilespmem:$0x1E080] =	vst v63  }
0x58: {  	_ =	swait.ge [sflag:s31], $0x1000  }
0x59: {  	[sflag:s31] =	ssyncset.done $0x0  }
0x5a: {  	[sflag:s31] =	ssyncadd.s32 $0xFFFFF000  }
0x5b: {  	[spmem:s20] =	stream.linear.scatter [tilespmem:s8], [sflag:$0x3], $0x1000, $0x38;
	[tilespmem:$0x1E080] =	vst v63  }
0x5c: {  	_ =	swait.ge [sflag:s31], $0x1000  }
0x5d: {  	[sflag:s31] =	ssyncset.done $0x0  }
0x5e: {  	[sflag:s31] =	ssyncadd.s32 $0xFFFFF000  }
0x5f: {  	[spmem:s21] =	stream.linear.scatter [tilespmem:s8], [sflag:$0x3], $0x1000, $0x38;
	[tilespmem:$0x1E080] =	vst v63  }
0x60: {  	_ =	swait.ge [sflag:s31], $0x1000  }
0x61: {  	[sflag:s31] =	ssyncset.done $0x0  }
0x62: {  	[sflag:s31] =	ssyncadd.s32 $0xFFFFF000  }
0x63: {  	[spmem:s22] =	stream.linear.scatter [tilespmem:s8], [sflag:$0x3], $0x1000, $0x38;
	[tilespmem:$0x1E080] =	vst v63  }
0x64: {  	_ =	swait.ge [sflag:s31], $0x1000  }
0x65: {  	[sflag:s31] =	ssyncset.done $0x0  }
0x66: {  	[sflag:s31] =	ssyncadd.s32 $0xFFFFF000  }
0x67: {  	[spmem:s23] =	stream.linear.scatter [tilespmem:s8], [sflag:$0x3], $0x1000, $0x38;
	[tilespmem:$0x1E080] =	vst v63  }
0x68: {  	_ =	swait.ge [sflag:s31], $0x1000  }
0x69: {  	[sflag:s31] =	ssyncset.done $0x0  }
0x6a: {  	[sflag:s31] =	ssyncadd.s32 $0xFFFFF000  }
0x6b: {  	[spmem:s24] =	stream.linear.scatter [tilespmem:s8], [sflag:$0x3], $0x1000, $0x38;
	[tilespmem:$0x1E080] =	vst v63  }
0x6c: {  	_ =	swait.ge [sflag:s31], $0x1000  }
0x6d: {  	[sflag:s31] =	ssyncset.done $0x0  }
0x6e: {  	[sflag:s31] =	ssyncadd.s32 $0xFFFFF000  }
0x6f: {  	[spmem:s25] =	stream.linear.scatter [tilespmem:s8], [sflag:$0x3], $0x1000, $0x38;
	[tilespmem:$0x1E080] =	vst v63  }
0x70: {  	_ =	swait.ge [sflag:s31], $0x1000  }
0x71: {  	[sflag:s31] =	ssyncset.done $0x0  }
0x72: {  	[sflag:s31] =	ssyncadd.s32 $0xFFFFF000  }
0x73: {  	[spmem:s26] =	stream.linear.scatter [tilespmem:s8], [sflag:$0x3], $0x1000, $0x38;
	[tilespmem:$0x1E080] =	vst v63  }
0x74: {  	_ =	swait.ge [sflag:s31], $0x1000  }
0x75: {  	[sflag:s31] =	ssyncset.done $0x0  }
0x76: {  	[sflag:s31] =	ssyncadd.s32 $0xFFFFF000  }
0x77: {  	[spmem:s28] =	stream.linear.scatter [tilespmem:s8], [sflag:$0x3], $0x1000, $0x38;
	[tilespmem:$0x1E080] =	vst v63  }
0x78: {  	_ =	swait.ge [sflag:s31], $0x1000  }
0x79: {  	[sflag:s31] =	ssyncset.done $0x0  }
0x7a: {  	[sflag:s31] =	ssyncadd.s32 $0xFFFFF000  }
0x7b: {  	_ =	swait.ge [sflag:s1], $0x2800  }
0x7c: {  	[sflag:s1] =	ssyncset.done $0x0  }
0x7d: {  	[sflag:s1] =	ssyncadd.s32 $0xFFFFD800  }
0x7e: {  	_ =	swait.ge [sflag:s0], $0x2800  }
0x7f: {  	[sflag:s0] =	ssyncset.done $0x0  }
0x80: {  	[sflag:s0] =	ssyncadd.s32 $0xFFFFD800  }
0x81: {  	s9 =	simm.s32 $0x0;
	[bflag:$0x0] =	sbarrier.arrive $0xFFFF  }
0x82: {  	v1 =	vld [tilespmem:s9+$0x1000];
	_ =	sdelay $0x4  }
0x83: {  	[tilespmem:$0x6000] =	vst v1  }
0x84: {  	v1 =	vld [tilespmem:s9+$0x1010];
	_ =	sdelay $0x4  }
0x85: {  	[tilespmem:$0x6010] =	vst v1  }
0x86: {  	v1 =	vld [tilespmem:s9+$0x1020];
	_ =	sdelay $0x4  }
0x87: {  	[tilespmem:$0x6020] =	vst v1  }
0x88: {  	v1 =	vld [tilespmem:s9+$0x1030];
	_ =	sdelay $0x4  }
0x89: {  	[tilespmem:$0x6030] =	vst v1  }
0x8a: {  	v1 =	vld [tilespmem:s9+$0x1040];
	_ =	sdelay $0x4  }
0x8b: {  	[tilespmem:$0x6040] =	vst v1  }
0x8c: {  	v1 =	vld [tilespmem:s9+$0x1050];
	_ =	sdelay $0x4  }
0x8d: {  	[tilespmem:$0x6050] =	vst v1  }
0x8e: {  	v1 =	vld [tilespmem:s9+$0x1060];
	_ =	sdelay $0x4  }
0x8f: {  	[tilespmem:$0x6060] =	vst v1  }
0x90: {  	v1 =	vld [tilespmem:s9+$0x1070];
	_ =	sdelay $0x4  }
0x91: {  	[tilespmem:$0x6070] =	vst v1  }
0x92: {  	[tilespmem:s3], [sflag:$0x2] =	stream.indirect.gather [hbm4b:s2+s29], $0x80, s30, s29, $0xb8;
	[tilespmem:$0x1E080] =	vst v63  }
0x93: {  	_ =	swait.ge [sflag:s0], $0x4000  }
0x94: {  	s5 =	simm.s32 $0x200;
	s7 =	simm.s32 $0x400;
	[sflag:s0] =	ssyncset.done $0x0  }
.LBB2_4:
0x95: {  	s9 =	sshra.s32 s5, $0x2  }
0x96: {  	[sflag:s0] =	ssyncadd.s32 $0xFFFFC000;
	s5 =	smov.u32 s7;
	s8 =	sadd.s32 $0x200, s7  }
0x97: {  	p0 =	sne.s32 s7, $0x9E00;
	v1 =	vld [tilespmem:s9+$0x1000];
	_ =	sdelay $0x4  }
0x98: {  	[tilespmem:$0x6000] =	vst v1  }
0x99: {  	v1 =	vld [tilespmem:s9+$0x1010];
	_ =	sdelay $0x4  }
0x9a: {  	[tilespmem:$0x6010] =	vst v1  }
0x9b: {  	v1 =	vld [tilespmem:s9+$0x1020];
	_ =	sdelay $0x4  }
0x9c: {  	[tilespmem:$0x6020] =	vst v1  }
0x9d: {  	v1 =	vld [tilespmem:s9+$0x1030];
	_ =	sdelay $0x4  }
0x9e: {  	[tilespmem:$0x6030] =	vst v1  }
0x9f: {  	v1 =	vld [tilespmem:s9+$0x1040];
	_ =	sdelay $0x4  }
0xa0: {  	[tilespmem:$0x6040] =	vst v1  }
0xa1: {  	v1 =	vld [tilespmem:s9+$0x1050];
	_ =	sdelay $0x4  }
0xa2: {  	[tilespmem:$0x6050] =	vst v1  }
0xa3: {  	v1 =	vld [tilespmem:s9+$0x1060];
	_ =	sdelay $0x4  }
0xa4: {  	[tilespmem:$0x6060] =	vst v1  }
0xa5: {  	v1 =	vld [tilespmem:s9+$0x1070];
	_ =	sdelay $0x3  }
.Ltmp1:
0xa6: {  	(pc) =	sbr.rel @p0 .LBB2_4-.Ltmp1, $4  }
0xa7: {  	[tilespmem:$0x6070] =	vst v1  }
0xa8: {  	[tilespmem:s3], [sflag:$0x2] =	stream.indirect.gather [hbm4b:s2+s29], $0x80, s30, s29, $0xb8;
	[tilespmem:$0x1E080] =	vst v63  }
0xa9: {  	_ =	swait.ge [sflag:s0], $0x4000  }
0xaa: {  	s7 =	smov.u32 s8;
	[sflag:s0] =	ssyncset.done $0x0  }
0xab: {  	s5 =	sshra.s32 s5, $0x2;
	[sflag:s0] =	ssyncadd.s32 $0xFFFFC000  }
0xac: {  	v1 =	vld [tilespmem:s5+$0x1000];
	_ =	sdelay $0x4  }
0xad: {  	[tilespmem:$0x6000] =	vst v1  }
0xae: {  	v1 =	vld [tilespmem:s5+$0x1010];
	_ =	sdelay $0x4  }
0xaf: {  	[tilespmem:$0x6010] =	vst v1  }
0xb0: {  	v1 =	vld [tilespmem:s5+$0x1020];
	_ =	sdelay $0x4  }
0xb1: {  	[tilespmem:$0x6020] =	vst v1  }
0xb2: {  	v1 =	vld [tilespmem:s5+$0x1030];
	_ =	sdelay $0x4  }
0xb3: {  	[tilespmem:$0x6030] =	vst v1  }
0xb4: {  	v1 =	vld [tilespmem:s5+$0x1040];
	_ =	sdelay $0x4  }
0xb5: {  	[tilespmem:$0x6040] =	vst v1  }
0xb6: {  	v1 =	vld [tilespmem:s5+$0x1050];
	_ =	sdelay $0x4  }
0xb7: {  	[tilespmem:$0x6050] =	vst v1  }
0xb8: {  	v1 =	vld [tilespmem:s5+$0x1060];
	_ =	sdelay $0x4  }
0xb9: {  	[tilespmem:$0x6060] =	vst v1  }
0xba: {  	v1 =	vld [tilespmem:s5+$0x1070];
	_ =	sdelay $0x4  }
0xbb: {  	[tilespmem:$0x6070] =	vst v1  }
0xbc: {  	[tilespmem:s3], [sflag:$0x2] =	stream.indirect.gather [hbm4b:s2+s29], $0x80, s30, s29, $0xb8;
	[tilespmem:$0x1E080] =	vst v63  }
0xbd: {  	_ =	swait.ge [sflag:s0], $0x4000  }
0xbe: {  	[sflag:s0] =	ssyncset.done $0x0  }
0xbf: {  	s8 =	stileid.u32;
	[sflag:s0] =	ssyncadd.s32 $0xFFFFC000  }
0xc0: {  	s5 =	sshll.u32 s8, $0x6;
	[bflag:$0x0] =	sbarrier.arrive $0xFFFF  }
0xc1: {  	s7 =	sshrl.u32 s6, $0x3;
	s5 =	sor.u32 $0x1C03, s5;
	s8 =	rddreg [dreg:$0x6]  }
0xc2: {  	[hbm:s8], [sflag:s5] =	dma.local [spmem:s7], $0x2800  }
0xc3: {  	_ =	swait.ge [sflag:s31], $0x2800  }
0xc4: {  	s4 =	sadd.s32 $0x1, s4;
	s9 =	rddreg [dreg:$0x7]  }
0xc5: {  	p0 =	sne.s32 s4, s9  }
.Ltmp2:
0xc6: {  	_ = 	snop;
	(pc) =	sbr.rel @p0 .LBB2_1-.Ltmp2, $3  }
0xc7: {  	_ =	sdelay $0x1  }
0xc8: {  	[sflag:s31] =	ssyncset.done $0x0  }
0xc9: {  	[sflag:s31] =	ssyncadd.s32 $0xFFFFD800  }
0xca: {  	_ =	sfence.sel $0x180000  }
0xcb: {  	[bflag:$0x0] =	sbarrier.arrive $0xFFFF  }
0xcc: {  	_ =	strace $0x90000047  }
0xcd: {  	s0 =	stileid.u32;
	[bflag:$0x2] =	sbarrier.arrive $0xFFFF  }
0xce: {  	p0 =	sne.s32 s0, $0x0;
	s0 =	rddreg [dreg:$0x3]  }
0xcf: {  	s0 =	sadd.s32 @!p0 $0x100000, s0  }
0xd0: {  	[sflag:s0] =	ssyncadd.tile.s32 @!p0 $0x1;
	_ =	shalt  }
.Lfunc_end2:
_tile_overlayer_lowered:
.L_overlay_start_2:
0xd1: {  	(tag) =	ssettag $0x2  }
0xd2: {  	s0 =	rddreg [dreg:$0x0];
	s2 =	stileid.u32  }
0xd3: {  	s1 =	rddreg [dreg:$0x1];
	p0 =	sne.s32 s2, $0x0  }
0xd4: {  	s3 =	rddreg [dreg:$0x2];
	[bflag:$0x3] =	sbarrier.arrive $0xFFFF;
	s2 =	simm.s32 @!p0 $0x1C03  }
0xd5: {  	[timem:s3], [sflag:s2] =	dma.local @!p0 [hbm:s0], s1  }
0xd6: {  	s0 =	simm.s32 @!p0 $0x3  }
0xd7: {  	_ =	swait.ge @!p0 [sflag:s0], s1  }
0xd8: {  	s1 =	ssub.s32 @!p0 $0x0, s1;
	[sflag:s0] =	ssyncset.done @!p0 $0x0  }
0xd9: {  	[sflag:s0] =	ssyncadd.s32 @!p0 s1  }
0xda: {  	[bflag:$0x3] =	sbarrier.arrive $0xFFFF  }
0xdb: {  	_ =	shalt  }

</sc_bundles>
